<compile_context>
chip_gen: v7x
topology: tpu7x:2x2x1
jax: 0.10.2.dev20260603
libtpu: 0.0.44.dev20260713+nightly
codegen_flags: <defaults>
</compile_context>

<pallas_src>
import functools

import jax
import jax.numpy as jnp
from jax import lax
from jax.experimental import pallas as pl
from jax.experimental.pallas import tpu as pltpu
from jax.experimental.pallas import tpu_sc as plsc

_K = 8192
_D = 256
_N = 8192
_NB = 512
_KB = 2048
_NN = _N // _NB
_NK = _K // _KB

_SEG_BOUNDS = (2048, 4096, 6144)

_COMMIT_COST = 0.25


def _dist_body(z_ref, cb_ref, enc_ref, loss_ref, zsq_ref, minv_ref, mini_ref):
    k = pl.program_id(0)
    n = pl.program_id(1)
    z = z_ref[...]
    cb = cb_ref[...]
    rows = pl.ds(n * _NB, _NB)

    @pl.when(k == 0)
    def _init():
        zsq_ref[rows, :] = jnp.sum(z * z, axis=1, keepdims=True)
        minv_ref[rows, :] = jnp.full((_NB, 1), jnp.inf, jnp.float32)
        mini_ref[rows, :] = jnp.zeros((_NB, 1), jnp.int32)

    esq = jnp.sum(cb * cb, axis=1)
    z_bf = z.astype(jnp.bfloat16)
    cb_bf = cb.astype(jnp.bfloat16)
    mm = lax.dot_general(z_bf, cb_bf, (((1,), (1,)), ((), ())),
                         preferred_element_type=jnp.float32)
    dist = (zsq_ref[rows, :] + esq[None, :]) - 2.0 * mm

    gids = lax.broadcasted_iota(jnp.int32, (_NB, _KB), 1) + k * _KB

    lmin = jnp.min(dist, axis=1, keepdims=True)
    larg = jnp.min(jnp.where(dist == lmin, gids, _K), axis=1, keepdims=True)

    acc = minv_ref[rows, :]

    @pl.when(k != 0)
    def _cmp():
        accr = acc.astype(jnp.bfloat16).astype(jnp.float32)
        better = lmin < accr
        mini_ref[rows, :] = jnp.where(better, larg, mini_ref[rows, :])
        minv_ref[rows, :] = jnp.where(better, lmin, accr)

    @pl.when(k == 0)
    def _first():
        mini_ref[rows, :] = larg
        minv_ref[rows, :] = lmin

    @pl.when(k == _NK - 1)
    def _finish():
        enc_ref[...] = mini_ref[rows, :]
        psum = jnp.sum(minv_ref[rows, :])

        @pl.when(n == 0)
        def _():
            loss_ref[0, 0] = psum

        @pl.when(n != 0)
        def _():
            loss_ref[0, 0] = loss_ref[0, 0] + psum


_dist_call = pl.pallas_call(
    _dist_body,
    grid=(_NK, _NN),
    in_specs=[
        pl.BlockSpec((_NB, _D), lambda k, n: (n, 0)),
        pl.BlockSpec((_KB, _D), lambda k, n: (k, 0)),
    ],
    out_specs=[
        pl.BlockSpec((_NB, 1), lambda k, n: (n, 0)),
        pl.BlockSpec(memory_space=pltpu.SMEM),
    ],
    out_shape=[
        jax.ShapeDtypeStruct((_N, 1), jnp.int32),
        jax.ShapeDtypeStruct((1, 1), jnp.float32),
    ],
    scratch_shapes=[
        pltpu.VMEM((_N, 1), jnp.float32),
        pltpu.VMEM((_N, 1), jnp.float32),
        pltpu.VMEM((_N, 1), jnp.int32),
    ],
)


_NC = 2
_NS = 16
_NW = _NC * _NS
_BPW = _N // _NW
_CHUNK = 128
_NCH = _BPW // _CHUNK


@functools.cache
def _make_sc_gather():
    mesh = plsc.VectorSubcoreMesh(core_axis_name="c", subcore_axis_name="s")

    @functools.partial(
        pl.kernel,
        mesh=mesh,
        out_type=jax.ShapeDtypeStruct((_N, _D), jnp.float32),
        scratch_types=[
            pltpu.VMEM((_NCH, _CHUNK), jnp.int32),
            pltpu.VMEM((_BPW, _D), jnp.float32),
            pltpu.SemaphoreType.DMA,
        ],
    )
    def _sc_gather(cb_hbm, idx_hbm, out_hbm, idx_v, rows_v, sem):
        wid = lax.axis_index("s") * _NC + lax.axis_index("c")
        base = wid * _BPW
        pltpu.sync_copy(idx_hbm.at[pl.ds(wid * _NCH, _NCH)], idx_v)
        copies = [
            pltpu.async_copy(cb_hbm.at[idx_v.at[j]],
                             rows_v.at[pl.ds(j * _CHUNK, _CHUNK)], sem)
            for j in range(_NCH)
        ]
        for c in copies:
            c.wait()
        pltpu.sync_copy(rows_v, out_hbm.at[pl.ds(base, _BPW)])

    return _sc_gather


def kernel(z, codebook):
    flat_z = z.reshape(-1, _D)
    enc2d, loss_sum = _dist_call(flat_z, codebook)
    encoding = enc2d.reshape(-1)
    code = _make_sc_gather()(codebook, encoding.reshape(_N // _CHUNK, _CHUNK))
    code = code.astype(jnp.bfloat16).astype(jnp.float32)
    code_st = code.reshape(z.shape)
    commitment_loss = (_COMMIT_COST / (_N * _D)) * loss_sum[0, 0]
    return (code_st, commitment_loss, None, encoding)

# --- scband reference (transcript-rebuilt; emitter-appended) ---
"""Pipeline reference for scband-quantizer-609885356393 (READ-ONLY COPY).

The authoritative reference and input builder live on the scoring server;
editing this copy changes nothing except your own understanding.
"""

import jax, jax.numpy as jnp
import numpy as np

CODEBOOK_LEN = 8192
EMBED_DIM = 256
COMMIT_COST = 0.25


def setup_inputs(seed: int = 0) -> dict:
    key = jax.random.key(seed)
    k1, k2 = jax.random.split(key)
    z = jax.random.normal(k1, (8, 256, 32, 32), dtype=jnp.float32)
    codebook = jax.random.normal(k2, (CODEBOOK_LEN, EMBED_DIM), dtype=jnp.float32)
    return {"z": z, "codebook": codebook}


def reference(z, codebook):
    # Faithful translation of Quantizer.forward (use_ema=True, eval mode -> no EMA buffer update,
    # codebook_loss is None).
    b, c, h, w = z.shape
    flat_z = z.reshape(-1, EMBED_DIM)  # matches torch z.view(-1, 1, embed_dim).squeeze(1)
    # dist = ||z||^2 + ||e||^2 - 2 z.e
    dist = (jnp.sum(flat_z ** 2, axis=1, keepdims=True)
            + jnp.sum(codebook ** 2, axis=1)[None, :]
            - 2.0 * (flat_z @ codebook.T))
    encoding = jnp.argmin(dist, axis=1)
    idx = jax.nn.one_hot(encoding, CODEBOOK_LEN, dtype=jnp.float32)
    # torch uses self.codebook.data (detached) for the lookup
    code = (idx @ jax.lax.stop_gradient(codebook)).reshape(z.shape)
    commitment_loss = COMMIT_COST * jnp.mean((z - jax.lax.stop_gradient(code)) ** 2)
    codebook_loss = None  # use_ema=True branch
    # straight-through estimator
    code_st = z + jax.lax.stop_gradient(code - z)
    return (code_st, commitment_loss, codebook_loss, encoding)

if __name__ == "__main__":
    import jax
    _d = setup_inputs()
    print(jax.jit(kernel)(*tuple(_d.values())))

</pallas_src>

<mosaic_0001>
#map = affine_map<(d0, d1) -> (0, 0)>
module attributes {stable_mosaic.version = 14 : i64} {
  func.func @_sc_gather(%arg0: i32, %arg1: i32, %arg2: memref<8192x256xf32, #tpu.memory_space<hbm>>, %arg3: memref<64x128xi32, #tpu.memory_space<hbm>>, %arg4: memref<8192x256xf32, #tpu.memory_space<hbm>>, %arg5: memref<2x128xi32, #tpu.memory_space<vmem>>, %arg6: memref<256x256xf32, #tpu.memory_space<vmem>>, %arg7: memref<!tpu.dma_semaphore, #tpu.memory_space<semaphore_mem>>) attributes {dimension_semantics = [#tpu.dimension_semantics<core_parallel>, #tpu.dimension_semantics<subcore_parallel>], iteration_bounds = array<i64: 2, 16>, scalar_prefetch = 0 : i64, scratch_operands = 3 : i64, tpu.core_type = #tpu.core_type<sc_vector_subcore>, window_params = [{transform_indices = #map}, {transform_indices = #map}, {transform_indices = #map}]} {
    %mul3A = arith.constant 2 : i32
    %mul3A_0 = arith.muli %arg1, %mul3A : i32
    %add3A = arith.addi %mul3A_0, %arg0 : i32
    %mul3A_1 = arith.constant 256 : i32
    %mul3A_2 = arith.muli %add3A, %mul3A_1 : i32
    %mul3A_3 = arith.constant 2 : i32
    %mul3A_4 = arith.muli %add3A, %mul3A_3 : i32
    "tpu.region"() ({
      %run_scoped3A = tpu.sem_alloc : memref<!tpu.dma_semaphore, #tpu.memory_space<semaphore_mem>>
      %dma_start3A_43 = arith.constant 0 : i32
      %dma_start3A_44 = tpu.memref_slice %arg3[%mul3A_4, %dma_start3A_43] : memref<64x128xi32, #tpu.memory_space<hbm>> -> memref<2x128xi32, #tpu.memory_space<hbm>>
      %dma_start3A_45 = arith.constant 0 : i32
      %dma_start3A_46 = tpu.memref_slice %arg3[%mul3A_4, %dma_start3A_45] : memref<64x128xi32, #tpu.memory_space<hbm>> -> memref<2x128xi32, #tpu.memory_space<hbm>>
      tpu.enqueue_dma source(%dma_start3A_46 : memref<2x128xi32, #tpu.memory_space<hbm>>) target(%arg5 : memref<2x128xi32, #tpu.memory_space<vmem>>) target_semaphore(%run_scoped3A : memref<!tpu.dma_semaphore, #tpu.memory_space<semaphore_mem>>)
      %dma_wait3A_47 = arith.constant 0 : i32
      %dma_wait3A_48 = tpu.memref_slice %arg3[%mul3A_4, %dma_wait3A_47] : memref<64x128xi32, #tpu.memory_space<hbm>> -> memref<2x128xi32, #tpu.memory_space<hbm>>
      %dma_wait3A_49 = arith.constant 0 : i32
      %dma_wait3A_50 = tpu.memref_slice %arg3[%mul3A_4, %dma_wait3A_49] : memref<64x128xi32, #tpu.memory_space<hbm>> -> memref<2x128xi32, #tpu.memory_space<hbm>>
      tpu.wait_dma2 semaphore(%run_scoped3A : memref<!tpu.dma_semaphore, #tpu.memory_space<semaphore_mem>>) src(%dma_wait3A_50 : memref<2x128xi32, #tpu.memory_space<hbm>>) dst(%arg5 : memref<2x128xi32, #tpu.memory_space<vmem>>)
      tpu.yield
    }) : () -> ()
    %dma_start3A = arith.constant 0 : i32
    %dma_start3A_5 = arith.constant 0 : i32
    %dma_start3A_6 = arith.constant 0 : i32
    %dma_start3A_7 = tpu.memref_slice %arg6[%dma_start3A_5, %dma_start3A_6] : memref<256x256xf32, #tpu.memory_space<vmem>> -> memref<128x256xf32, #tpu.memory_space<vmem>>
    %dma_start3A_8 = arith.constant 0 : i32
    %dma_start3A_9 = tpu.memref_slice %arg5[%dma_start3A, %dma_start3A_8] : memref<2x128xi32, #tpu.memory_space<vmem>> -> memref<1x128xi32, #tpu.memory_space<vmem>>
    %dma_start3A_10 = tpu.memref_squeeze %dma_start3A_9 : memref<1x128xi32, #tpu.memory_space<vmem>> -> memref<128xi32, #tpu.memory_space<vmem>>
    %dma_start3A_11 = arith.constant 0 : i32
    %dma_start3A_12 = arith.constant 0 : i32
    %dma_start3A_13 = tpu.memref_slice %arg2[%dma_start3A_11, %dma_start3A_12] : memref<8192x256xf32, #tpu.memory_space<hbm>> -> memref<8192x256xf32, #tpu.memory_space<hbm>>
    tpu.enqueue_indirect_dma source(%dma_start3A_13 : memref<8192x256xf32, #tpu.memory_space<hbm>>) target(%dma_start3A_7 : memref<128x256xf32, #tpu.memory_space<vmem>>) offsets(%dma_start3A_10 : memref<128xi32, #tpu.memory_space<vmem>>) semaphore(%arg7 : memref<!tpu.dma_semaphore, #tpu.memory_space<semaphore_mem>>)
    %dma_start3A_14 = arith.constant 1 : i32
    %dma_start3A_15 = arith.constant 128 : i32
    %dma_start3A_16 = arith.constant 0 : i32
    %dma_start3A_17 = tpu.memref_slice %arg6[%dma_start3A_15, %dma_start3A_16] : memref<256x256xf32, #tpu.memory_space<vmem>> -> memref<128x256xf32, #tpu.memory_space<vmem>>
    %dma_start3A_18 = arith.constant 0 : i32
    %dma_start3A_19 = tpu.memref_slice %arg5[%dma_start3A_14, %dma_start3A_18] : memref<2x128xi32, #tpu.memory_space<vmem>> -> memref<1x128xi32, #tpu.memory_space<vmem>>
    %dma_start3A_20 = tpu.memref_squeeze %dma_start3A_19 : memref<1x128xi32, #tpu.memory_space<vmem>> -> memref<128xi32, #tpu.memory_space<vmem>>
    %dma_start3A_21 = arith.constant 0 : i32
    %dma_start3A_22 = arith.constant 0 : i32
    %dma_start3A_23 = tpu.memref_slice %arg2[%dma_start3A_21, %dma_start3A_22] : memref<8192x256xf32, #tpu.memory_space<hbm>> -> memref<8192x256xf32, #tpu.memory_space<hbm>>
    tpu.enqueue_indirect_dma source(%dma_start3A_23 : memref<8192x256xf32, #tpu.memory_space<hbm>>) target(%dma_start3A_17 : memref<128x256xf32, #tpu.memory_space<vmem>>) offsets(%dma_start3A_20 : memref<128xi32, #tpu.memory_space<vmem>>) semaphore(%arg7 : memref<!tpu.dma_semaphore, #tpu.memory_space<semaphore_mem>>)
    %dma_wait3A = arith.constant 0 : i32
    %dma_wait3A_24 = arith.constant 0 : i32
    %dma_wait3A_25 = arith.constant 0 : i32
    %dma_wait3A_26 = tpu.memref_slice %arg6[%dma_wait3A_24, %dma_wait3A_25] : memref<256x256xf32, #tpu.memory_space<vmem>> -> memref<128x256xf32, #tpu.memory_space<vmem>>
    %dma_wait3A_27 = arith.constant 0 : i32
    %dma_wait3A_28 = tpu.memref_slice %arg5[%dma_wait3A, %dma_wait3A_27] : memref<2x128xi32, #tpu.memory_space<vmem>> -> memref<1x128xi32, #tpu.memory_space<vmem>>
    %dma_wait3A_29 = tpu.memref_squeeze %dma_wait3A_28 : memref<1x128xi32, #tpu.memory_space<vmem>> -> memref<128xi32, #tpu.memory_space<vmem>>
    %dma_wait3A_30 = arith.constant 0 : i32
    %dma_wait3A_31 = arith.constant 0 : i32
    %dma_wait3A_32 = tpu.memref_slice %arg2[%dma_wait3A_30, %dma_wait3A_31] : memref<8192x256xf32, #tpu.memory_space<hbm>> -> memref<8192x256xf32, #tpu.memory_space<hbm>>
    tpu.wait_indirect_dma semaphore(%arg7 : memref<!tpu.dma_semaphore, #tpu.memory_space<semaphore_mem>>) src(%dma_wait3A_32 : memref<8192x256xf32, #tpu.memory_space<hbm>>) dst(%dma_wait3A_26 : memref<128x256xf32, #tpu.memory_space<vmem>>)
    %dma_wait3A_33 = arith.constant 1 : i32
    %dma_wait3A_34 = arith.constant 128 : i32
    %dma_wait3A_35 = arith.constant 0 : i32
    %dma_wait3A_36 = tpu.memref_slice %arg6[%dma_wait3A_34, %dma_wait3A_35] : memref<256x256xf32, #tpu.memory_space<vmem>> -> memref<128x256xf32, #tpu.memory_space<vmem>>
    %dma_wait3A_37 = arith.constant 0 : i32
    %dma_wait3A_38 = tpu.memref_slice %arg5[%dma_wait3A_33, %dma_wait3A_37] : memref<2x128xi32, #tpu.memory_space<vmem>> -> memref<1x128xi32, #tpu.memory_space<vmem>>
    %dma_wait3A_39 = tpu.memref_squeeze %dma_wait3A_38 : memref<1x128xi32, #tpu.memory_space<vmem>> -> memref<128xi32, #tpu.memory_space<vmem>>
    %dma_wait3A_40 = arith.constant 0 : i32
    %dma_wait3A_41 = arith.constant 0 : i32
    %dma_wait3A_42 = tpu.memref_slice %arg2[%dma_wait3A_40, %dma_wait3A_41] : memref<8192x256xf32, #tpu.memory_space<hbm>> -> memref<8192x256xf32, #tpu.memory_space<hbm>>
    tpu.wait_indirect_dma semaphore(%arg7 : memref<!tpu.dma_semaphore, #tpu.memory_space<semaphore_mem>>) src(%dma_wait3A_42 : memref<8192x256xf32, #tpu.memory_space<hbm>>) dst(%dma_wait3A_36 : memref<128x256xf32, #tpu.memory_space<vmem>>)
    "tpu.region"() ({
      %run_scoped3A = tpu.sem_alloc : memref<!tpu.dma_semaphore, #tpu.memory_space<semaphore_mem>>
      %dma_start3A_43 = arith.constant 0 : i32
      %dma_start3A_44 = tpu.memref_slice %arg4[%mul3A_2, %dma_start3A_43] : memref<8192x256xf32, #tpu.memory_space<hbm>> -> memref<256x256xf32, #tpu.memory_space<hbm>>
      %dma_start3A_45 = arith.constant 0 : i32
      %dma_start3A_46 = tpu.memref_slice %arg4[%mul3A_2, %dma_start3A_45] : memref<8192x256xf32, #tpu.memory_space<hbm>> -> memref<256x256xf32, #tpu.memory_space<hbm>>
      tpu.enqueue_dma source(%arg6 : memref<256x256xf32, #tpu.memory_space<vmem>>) target(%dma_start3A_46 : memref<256x256xf32, #tpu.memory_space<hbm>>) target_semaphore(%run_scoped3A : memref<!tpu.dma_semaphore, #tpu.memory_space<semaphore_mem>>)
      %dma_wait3A_47 = arith.constant 0 : i32
      %dma_wait3A_48 = tpu.memref_slice %arg4[%mul3A_2, %dma_wait3A_47] : memref<8192x256xf32, #tpu.memory_space<hbm>> -> memref<256x256xf32, #tpu.memory_space<hbm>>
      %dma_wait3A_49 = arith.constant 0 : i32
      %dma_wait3A_50 = tpu.memref_slice %arg4[%mul3A_2, %dma_wait3A_49] : memref<8192x256xf32, #tpu.memory_space<hbm>> -> memref<256x256xf32, #tpu.memory_space<hbm>>
      tpu.wait_dma2 semaphore(%run_scoped3A : memref<!tpu.dma_semaphore, #tpu.memory_space<semaphore_mem>>) src(%arg6 : memref<256x256xf32, #tpu.memory_space<vmem>>) dst(%dma_wait3A_50 : memref<256x256xf32, #tpu.memory_space<hbm>>)
      tpu.yield
    }) : () -> ()
    return
  }
}

module attributes {stable_mosaic.version = 14 : i64} {
  func.func @_dist_body(%arg0: i32, %arg1: i32, %arg2: memref<512x256xf32, #tpu.memory_space<vmem>>, %arg3: memref<2048x256xf32, #tpu.memory_space<vmem>>, %arg4: memref<512x1xi32, #tpu.memory_space<vmem>>, %arg5: memref<1x1xf32, #tpu.memory_space<smem>>, %arg6: memref<8192x1xf32, #tpu.memory_space<vmem>>, %arg7: memref<8192x1xf32, #tpu.memory_space<vmem>>, %arg8: memref<8192x1xi32, #tpu.memory_space<vmem>>) attributes {dimension_semantics = [#tpu.dimension_semantics<arbitrary>, #tpu.dimension_semantics<arbitrary>], iteration_bounds = array<i64: 4, 16>, scalar_prefetch = 0 : i64, scratch_operands = 3 : i64, tpu.core_type = #tpu.core_type<tc>, window_params = [{transform_indices = @transform_0, window_bounds = array<i64: 512, 256>}, {transform_indices = @transform_1, window_bounds = array<i64: 2048, 256>}, {transform_indices = @transform_2, window_bounds = array<i64: 512, 1>}, {transform_indices = @transform_3, window_bounds = array<i64: 1, 1>}]} {
    %get3A = arith.constant 0 : index
    %get3A_0 = arith.constant 0 : index
    %get3A_1 = vector.load %arg2[%get3A, %get3A_0] : memref<512x256xf32, #tpu.memory_space<vmem>>, vector<512x256xf32>
    %get3A_2 = arith.constant 0 : index
    %get3A_3 = arith.constant 0 : index
    %get3A_4 = vector.load %arg3[%get3A_2, %get3A_3] : memref<2048x256xf32, #tpu.memory_space<vmem>>, vector<2048x256xf32>
    %mul3A = arith.constant 512 : i32
    %mul3A_5 = arith.muli %arg1, %mul3A : i32
    %eq3A = arith.constant 0 : i32
    %eq3A_6 = arith.cmpi eq, %arg0, %eq3A : i32
    %convert_element_type3A = arith.extui %eq3A_6 : i1 to i32
    %cond3A = arith.constant 0 : i32
    %cond3A_7 = arith.cmpi ne, %convert_element_type3A, %cond3A : i32
    scf.if %cond3A_7 {
      %mul3A_50 = arith.mulf %get3A_1, %get3A_1 : vector<512x256xf32>
      %reduce_sum3A_51 = arith.constant dense<0.000000e+00> : vector<512xf32>
      %reduce_sum3A_52 = vector.multi_reduction <add>, %mul3A_50, %reduce_sum3A_51 [1] : vector<512x256xf32> to vector<512xf32>
      %broadcast_in_dim3A_53 = vector.shape_cast %reduce_sum3A_52 : vector<512xf32> to vector<512x1xf32>
      %swap3A = arith.index_cast %mul3A_5 : i32 to index
      %swap3A_54 = arith.constant 0 : index
      %swap3A_55 = vector.load %arg6[%swap3A, %swap3A_54] : memref<8192x1xf32, #tpu.memory_space<vmem>>, vector<512x1xf32>
      tpu.vector_store %arg6[%swap3A, %swap3A_54], %broadcast_in_dim3A_53 {strides = array<i32>} : memref<8192x1xf32, #tpu.memory_space<vmem>>, vector<512x1xf32>,
      %broadcast_in_dim3A_56 = arith.constant 0x7F800000 : f32
      %broadcast_in_dim3A_57 = vector.broadcast %broadcast_in_dim3A_56 : f32 to vector<512x1xf32>
      %swap3A_58 = arith.index_cast %mul3A_5 : i32 to index
      %swap3A_59 = arith.constant 0 : index
      %swap3A_60 = vector.load %arg7[%swap3A_58, %swap3A_59] : memref<8192x1xf32, #tpu.memory_space<vmem>>, vector<512x1xf32>
      tpu.vector_store %arg7[%swap3A_58, %swap3A_59], %broadcast_in_dim3A_57 {strides = array<i32>} : memref<8192x1xf32, #tpu.memory_space<vmem>>, vector<512x1xf32>,
      %broadcast_in_dim3A_61 = arith.constant 0 : i32
      %broadcast_in_dim3A_62 = vector.broadcast %broadcast_in_dim3A_61 : i32 to vector<512x1xi32>
      %swap3A_63 = arith.index_cast %mul3A_5 : i32 to index
      %swap3A_64 = arith.constant 0 : index
      %swap3A_65 = vector.load %arg8[%swap3A_63, %swap3A_64] : memref<8192x1xi32, #tpu.memory_space<vmem>>, vector<512x1xi32>
      tpu.vector_store %arg8[%swap3A_63, %swap3A_64], %broadcast_in_dim3A_62 {strides = array<i32>} : memref<8192x1xi32, #tpu.memory_space<vmem>>, vector<512x1xi32>,
    } else {
    }
    %mul3A_8 = arith.mulf %get3A_4, %get3A_4 : vector<2048x256xf32>
    %reduce_sum3A = arith.constant dense<0.000000e+00> : vector<2048xf32>
    %reduce_sum3A_9 = vector.multi_reduction <add>, %mul3A_8, %reduce_sum3A [1] : vector<2048x256xf32> to vector<2048xf32>
    %convert_element_type3A_10 = arith.truncf %get3A_1 : vector<512x256xf32> to vector<512x256xbf16>
    %convert_element_type3A_11 = arith.truncf %get3A_4 : vector<2048x256xf32> to vector<2048x256xbf16>
    %dot_general3A = arith.constant dense<0.000000e+00> : vector<512x2048xf32>
    %dot_general3A_12 = tpu.matmul %convert_element_type3A_10, %convert_element_type3A_11, %dot_general3A {dimension_numbers = #tpu.dot_dimension_numbers<[1], [1], [0], [0], [0, 0, 1, 0], [], []>, transpose_lhs_hint = false} : vector<512x256xbf16>, vector<2048x256xbf16>, vector<512x2048xf32> -> vector<512x2048xf32>
    %get3A_13 = arith.index_cast %mul3A_5 : i32 to index
    %get3A_14 = arith.constant 0 : index
    %get3A_15 = vector.load %arg6[%get3A_13, %get3A_14] : memref<8192x1xf32, #tpu.memory_space<vmem>>, vector<512x1xf32>
    %broadcast_in_dim3A = vector.shape_cast %reduce_sum3A_9 : vector<2048xf32> to vector<1x2048xf32>
    %add3A = vector.broadcast %get3A_15 : vector<512x1xf32> to vector<512x2048xf32>
    %add3A_16 = vector.broadcast %broadcast_in_dim3A : vector<1x2048xf32> to vector<512x2048xf32>
    %add3A_17 = arith.addf %add3A, %add3A_16 : vector<512x2048xf32>
    %mul3A_18 = arith.constant 2.000000e+00 : f32
    %mul3A_19 = vector.broadcast %mul3A_18 : f32 to vector<512x2048xf32>
    %mul3A_20 = arith.mulf %mul3A_19, %dot_general3A_12 : vector<512x2048xf32>
    %sub3A = arith.subf %add3A_17, %mul3A_20 : vector<512x2048xf32>
    %iota3A = tpu.iota {dimensions = array<i32: 1>} : vector<512x2048xi32>
    %mul3A_21 = arith.constant 2048 : i32
    %mul3A_22 = arith.muli %arg0, %mul3A_21 : i32
    %add3A_23 = vector.broadcast %mul3A_22 : i32 to vector<512x2048xi32>
    %add3A_24 = arith.addi %iota3A, %add3A_23 : vector<512x2048xi32>
    %reduce_min3A = arith.constant dense<0x7F800000> : vector<512xf32>
    %reduce_min3A_25 = vector.multi_reduction <minimumf>, %sub3A, %reduce_min3A [1] : vector<512x2048xf32> to vector<512xf32>
    %broadcast_in_dim3A_26 = vector.shape_cast %reduce_min3A_25 : vector<512xf32> to vector<512x1xf32>
    %eq3A_27 = vector.broadcast %broadcast_in_dim3A_26 : vector<512x1xf32> to vector<512x2048xf32>
    %eq3A_28 = arith.cmpf oeq, %sub3A, %eq3A_27 : vector<512x2048xf32>
    %jit3A = arith.constant 8192 : i32
    %broadcast_in_dim3A_29 = vector.broadcast %jit3A : i32 to vector<512x2048xi32>
    %select_n3A = arith.select %eq3A_28, %add3A_24, %broadcast_in_dim3A_29 : vector<512x2048xi1>, vector<512x2048xi32>
    %reduce_min3A_30 = arith.constant dense<2147483647> : vector<512xi32>
    %reduce_min3A_31 = vector.multi_reduction <minsi>, %select_n3A, %reduce_min3A_30 [1] : vector<512x2048xi32> to vector<512xi32>
    %broadcast_in_dim3A_32 = vector.shape_cast %reduce_min3A_31 : vector<512xi32> to vector<512x1xi32>
    %get3A_33 = arith.index_cast %mul3A_5 : i32 to index
    %get3A_34 = arith.constant 0 : index
    %get3A_35 = vector.load %arg7[%get3A_33, %get3A_34] : memref<8192x1xf32, #tpu.memory_space<vmem>>, vector<512x1xf32>
    %ne3A = arith.constant 0 : i32
    %ne3A_36 = arith.cmpi ne, %arg0, %ne3A : i32
    %convert_element_type3A_37 = arith.extui %ne3A_36 : i1 to i32
    %cond3A_38 = arith.constant 0 : i32
    %cond3A_39 = arith.cmpi ne, %convert_element_type3A_37, %cond3A_38 : i32
    scf.if %cond3A_39 {
      %convert_element_type3A_50 = arith.truncf %get3A_35 : vector<512x1xf32> to vector<512x1xbf16>
      %convert_element_type3A_51 = arith.extf %convert_element_type3A_50 : vector<512x1xbf16> to vector<512x1xf32>
      %lt3A = arith.cmpf olt, %broadcast_in_dim3A_26, %convert_element_type3A_51 : vector<512x1xf32>
      %get3A_52 = arith.index_cast %mul3A_5 : i32 to index
      %get3A_53 = arith.constant 0 : index
      %get3A_54 = vector.load %arg8[%get3A_52, %get3A_53] : memref<8192x1xi32, #tpu.memory_space<vmem>>, vector<512x1xi32>
      %select_n3A_55 = arith.select %lt3A, %broadcast_in_dim3A_32, %get3A_54 : vector<512x1xi1>, vector<512x1xi32>
      %swap3A = arith.index_cast %mul3A_5 : i32 to index
      %swap3A_56 = arith.constant 0 : index
      %swap3A_57 = vector.load %arg8[%swap3A, %swap3A_56] : memref<8192x1xi32, #tpu.memory_space<vmem>>, vector<512x1xi32>
      tpu.vector_store %arg8[%swap3A, %swap3A_56], %select_n3A_55 {strides = array<i32>} : memref<8192x1xi32, #tpu.memory_space<vmem>>, vector<512x1xi32>,
      %select_n3A_58 = arith.select %lt3A, %broadcast_in_dim3A_26, %convert_element_type3A_51 : vector<512x1xi1>, vector<512x1xf32>
      %swap3A_59 = arith.index_cast %mul3A_5 : i32 to index
      %swap3A_60 = arith.constant 0 : index
      %swap3A_61 = vector.load %arg7[%swap3A_59, %swap3A_60] : memref<8192x1xf32, #tpu.memory_space<vmem>>, vector<512x1xf32>
      tpu.vector_store %arg7[%swap3A_59, %swap3A_60], %select_n3A_58 {strides = array<i32>} : memref<8192x1xf32, #tpu.memory_space<vmem>>, vector<512x1xf32>,
    } else {
    }
    %eq3A_40 = arith.constant 0 : i32
    %eq3A_41 = arith.cmpi eq, %arg0, %eq3A_40 : i32
    %convert_element_type3A_42 = arith.extui %eq3A_41 : i1 to i32
    %cond3A_43 = arith.constant 0 : i32
    %cond3A_44 = arith.cmpi ne, %convert_element_type3A_42, %cond3A_43 : i32
    scf.if %cond3A_44 {
      %swap3A = arith.index_cast %mul3A_5 : i32 to index
      %swap3A_50 = arith.constant 0 : index
      %swap3A_51 = vector.load %arg8[%swap3A, %swap3A_50] : memref<8192x1xi32, #tpu.memory_space<vmem>>, vector<512x1xi32>
      tpu.vector_store %arg8[%swap3A, %swap3A_50], %broadcast_in_dim3A_32 {strides = array<i32>} : memref<8192x1xi32, #tpu.memory_space<vmem>>, vector<512x1xi32>,
      %swap3A_52 = arith.index_cast %mul3A_5 : i32 to index
      %swap3A_53 = arith.constant 0 : index
      %swap3A_54 = vector.load %arg7[%swap3A_52, %swap3A_53] : memref<8192x1xf32, #tpu.memory_space<vmem>>, vector<512x1xf32>
      tpu.vector_store %arg7[%swap3A_52, %swap3A_53], %broadcast_in_dim3A_26 {strides = array<i32>} : memref<8192x1xf32, #tpu.memory_space<vmem>>, vector<512x1xf32>,
    } else {
    }
    %eq3A_45 = arith.constant 3 : i32
    %eq3A_46 = arith.cmpi eq, %arg0, %eq3A_45 : i32
    %convert_element_type3A_47 = arith.extui %eq3A_46 : i1 to i32
    %cond3A_48 = arith.constant 0 : i32
    %cond3A_49 = arith.cmpi ne, %convert_element_type3A_47, %cond3A_48 : i32
    scf.if %cond3A_49 {
      %get3A_50 = arith.index_cast %mul3A_5 : i32 to index
      %get3A_51 = arith.constant 0 : index
      %get3A_52 = vector.load %arg8[%get3A_50, %get3A_51] : memref<8192x1xi32, #tpu.memory_space<vmem>>, vector<512x1xi32>
      %swap3A = arith.constant 0 : index
      %swap3A_53 = arith.constant 0 : index
      %swap3A_54 = vector.load %arg4[%swap3A, %swap3A_53] : memref<512x1xi32, #tpu.memory_space<vmem>>, vector<512x1xi32>
      tpu.vector_store %arg4[%swap3A, %swap3A_53], %get3A_52 {strides = array<i32>} : memref<512x1xi32, #tpu.memory_space<vmem>>, vector<512x1xi32>,
      %get3A_55 = arith.index_cast %mul3A_5 : i32 to index
      %get3A_56 = arith.constant 0 : index
      %get3A_57 = vector.load %arg7[%get3A_55, %get3A_56] : memref<8192x1xf32, #tpu.memory_space<vmem>>, vector<512x1xf32>
      %reduce_sum3A_58 = vector.shape_cast %get3A_57 : vector<512x1xf32> to vector<1x512x1xf32>
      %reduce_sum3A_59 = arith.constant dense<0.000000e+00> : vector<1xf32>
      %reduce_sum3A_60 = vector.multi_reduction <add>, %reduce_sum3A_58, %reduce_sum3A_59 [1, 2] : vector<1x512x1xf32> to vector<1xf32>
      %reduce_sum3A_61 = vector.shape_cast %reduce_sum3A_60 : vector<1xf32> to vector<1x1x1xf32>
      %reduce_sum3A_62 = vector.extract %reduce_sum3A_61[0, 0, 0] : f32 from vector<1x1x1xf32>
      %eq3A_63 = arith.constant 0 : i32
      %eq3A_64 = arith.cmpi eq, %arg1, %eq3A_63 : i32
      %convert_element_type3A_65 = arith.extui %eq3A_64 : i1 to i32
      %cond3A_66 = arith.constant 0 : i32
      %cond3A_67 = arith.cmpi ne, %convert_element_type3A_65, %cond3A_66 : i32
      scf.if %cond3A_67 {
        %swap3A_73 = arith.constant 0 : index
        %swap3A_74 = arith.constant 0 : index
        %swap3A_75 = memref.load %arg5[%swap3A_73, %swap3A_74] : memref<1x1xf32, #tpu.memory_space<smem>>
        memref.store %reduce_sum3A_62, %arg5[%swap3A_73, %swap3A_74] : memref<1x1xf32, #tpu.memory_space<smem>>
      } else {
      }
      %ne3A_68 = arith.constant 0 : i32
      %ne3A_69 = arith.cmpi ne, %arg1, %ne3A_68 : i32
      %convert_element_type3A_70 = arith.extui %ne3A_69 : i1 to i32
      %cond3A_71 = arith.constant 0 : i32
      %cond3A_72 = arith.cmpi ne, %convert_element_type3A_70, %cond3A_71 : i32
      scf.if %cond3A_72 {
        %get3A_73 = arith.constant 0 : index
        %get3A_74 = arith.constant 0 : index
        %get3A_75 = memref.load %arg5[%get3A_73, %get3A_74] : memref<1x1xf32, #tpu.memory_space<smem>>
        %add3A_76 = arith.addf %get3A_75, %reduce_sum3A_62 : f32
        %swap3A_77 = arith.constant 0 : index
        %swap3A_78 = arith.constant 0 : index
        %swap3A_79 = memref.load %arg5[%swap3A_77, %swap3A_78] : memref<1x1xf32, #tpu.memory_space<smem>>
        memref.store %add3A_76, %arg5[%swap3A_77, %swap3A_78] : memref<1x1xf32, #tpu.memory_space<smem>>
      } else {
      }
    } else {
    }
    return
  }
  func.func @transform_0(%arg0: i32, %arg1: i32) -> (i32, i32) {
    %c0_i32 = arith.constant 0 : i32
    %c0_i32_0 = arith.constant 0 : i32
    return %arg1, %c0_i32 : i32, i32
  }
  func.func @transform_1(%arg0: i32, %arg1: i32) -> (i32, i32) {
    %c0_i32 = arith.constant 0 : i32
    %c0_i32_0 = arith.constant 0 : i32
    return %arg0, %c0_i32 : i32, i32
  }
  func.func @transform_2(%arg0: i32, %arg1: i32) -> (i32, i32) {
    %c0_i32 = arith.constant 0 : i32
    %c0_i32_0 = arith.constant 0 : i32
    return %arg1, %c0_i32 : i32, i32
  }
  func.func @transform_3(%arg0: i32, %arg1: i32) -> (i32, i32) {
    %c0_i32 = arith.constant 0 : i32
    %c0_i32_0 = arith.constant 0 : i32
    %c0_i32_1 = arith.constant 0 : i32
    return %c0_i32, %c0_i32_0 : i32, i32
  }
}

</mosaic_0001>

<sc_bundles>
// kernel: kernel.4.cloned.1.call-start
scs
__scs_entry_jumppad:
0x0: {  	(pc) =	sbr.rel $0x88, $3  }
0x1: {  	(tag) =	ssettag $0x0;
	lr =	simm.s32 $0x1  }
0x2: {  	[smem:$0x3F9F] =	sst lr;
	_ =	strace $0xD0000000  }
0x3: {  	_ = 	snop  }
0x4: {  	_ = 	snop  }
0x5: {  	_ = 	snop  }
0x6: {  	_ = 	snop  }
0x7: {  	_ = 	snop  }
__scs_overlays_trampoline_lowered:
0x8: {  	[smem:$0x3FAE] =	sst s0  }
0x9: {  	[smem:$0x3FAF] =	sst s1  }
0xa: {  	[smem:$0x3FB0] =	sst s2  }
0xb: {  	[smem:$0x3FB1] =	sst s3  }
0xc: {  	[smem:$0x3FB2] =	sst s4  }
0xd: {  	[smem:$0x3FB3] =	sst s5  }
0xe: {  	[smem:$0x3FB4] =	sst s6  }
0xf: {  	[smem:$0x3FB5] =	sst s7  }
0x10: {  	[smem:$0x3FB6] =	sst s8  }
0x11: {  	[smem:$0x3FB7] =	sst s9;
	s0 =	simm.s32 @!p0 $0x0  }
0x12: {  	s1 =	sld [smem:$0x3F9D];
	s0 =	simm.s32 @p0 $0x1  }
0x13: {  	[smem:$0x3FB8] =	sst s0;
	s0 =	simm.s32 @!p1 $0x0  }
0x14: {  	s2 =	sld [smem:$0x3F9C];
	s0 =	simm.s32 @p1 $0x1  }
0x15: {  	[smem:$0x3FB9] =	sst s0;
	s0 =	simm.s32 @!p2 $0x0  }
0x16: {  	s3 =	sld [smem:$0x3FDB];
	s0 =	simm.s32 @p2 $0x1  }
0x17: {  	s4 =	simm.s32 $0x1BF5;
	[smem:$0x3FBB] =	sst s0  }
0x18: {  	s0 =	sld [smem:$0x3F9E];
	_ =	swait.ge [sflag:s4], $0x0  }
0x19: {  	s7 =	sld [smem:$0x3F9F]  }
0x1a: {  	s8 =	sadd.s32 $0xFFFFE003, lr  }
0x1b: {  	s9 =	sadd.s32 $0xFFFFFEF7, lr;
	s5 =	simm.s32 $0xFFFFFFFF;
	p2 =	slt.u32 s8, $0xFFFFF086  }
0x1c: {  	p1 =	slt.u32 s9, $0xF7A;
	s5 =	simm.s32 @!p2 $0x0  }
0x1d: {  	s5 =	simm.s32 @p1 $0x1;
	p0 =	seq.s32 s7, s2  }
0x1e: {  	s7 =	smul.u32 @!p0 $0xF7A, s2;
	p2 =	seq.s32 @!p0 s5, $0x0  }
0x1f: {  	s9 =	smul.u32 $0xF7A, s1;
	s8 =	simm.s32 @!p0 $0x1BF5;
	p2 =	por !p2, p0  }
0x20: {  	[sflag:s8] =	ssyncset.s32 @!p0 $0xFFFFF086;
	s6 =	sadd.s32 @!p0 s3, s7;
	s7 =	simm.s32 @!p0 $0x108  }
0x21: {  	s3 =	sadd.s32 s3, s9;
	s6 =	sadd.s32 @!p0 $0x88, s6;
	s7 =	simm.s32 @p2 $0x1082  }
0x22: {  	[simem:s7], [sflag:s8] =	dma.local @!p0 [hbm:s6], $0xF7A  }
0x23: {  	s9 =	sor.u32 $0xD0000000, s2;
	s6 =	simm.s32 $0x108;
	_ =	swait.ge @!p0 [sflag:s8], $0x0  }
0x24: {  	s3 =	sadd.s32 $0x88, s3;
	s6 =	simm.s32 @!p1 $0x1082;
	[sflag:s4] =	ssyncset.s32 $0xFFFFF086  }
0x25: {  	[simem:s6], [sflag:s4] =	dma.local [hbm:s3], $0xF7A  }
0x26: {  	[smem:$0x3F9F] =	sst s1;
	(tag) =	ssettag s2;
	_ =	strace s9  }
0x27: {  	s1 =	sld [smem:$0x3FAF]  }
0x28: {  	s2 =	sld [smem:$0x3FB0]  }
0x29: {  	s4 =	sld [smem:$0x3FB2]  }
0x2a: {  	p0 =	seq.s32 s5, $0x0;
	s5 =	sld [smem:$0x3FB3]  }
0x2b: {  	s6 =	sld [smem:$0x3FB4]  }
0x2c: {  	s7 =	sld [smem:$0x3FB5]  }
0x2d: {  	s3 =	simm.s32 $0x108;
	s8 =	sld [smem:$0x3FB6]  }
0x2e: {  	s3 =	simm.s32 @!p0 $0x1082;
	s9 =	sld [smem:$0x3FB7]  }
0x2f: {  	lr =	sadd.s32 s0, s3;
	s0 =	sld [smem:$0x3FAE]  }
0x30: {  	s3 =	sld [smem:$0x3FB1]  }
0x31: {  	[smem:$0x3FBA] =	sst s10  }
0x32: {  	s10 =	sld [smem:$0x3FB8];
	_ =	sdelay $0x3  }
0x33: {  	p0 =	seq.s32 s10, $0x1;
	s10 =	sld [smem:$0x3FBA];
	_ =	sdelay $0x3  }
0x34: {  	[smem:$0x3FBA] =	sst s10  }
0x35: {  	s10 =	sld [smem:$0x3FB9];
	_ =	sdelay $0x3  }
0x36: {  	p1 =	seq.s32 s10, $0x1;
	s10 =	sld [smem:$0x3FBA];
	_ =	sdelay $0x3  }
0x37: {  	[smem:$0x3FBA] =	sst s10  }
0x38: {  	s10 =	sld [smem:$0x3FBB]  }
0x39: {  	_ = 	snop;
	(pc) =	sbr.ind lr, $3  }
0x3a: {  	_ = 	snop  }
0x3b: {  	_ = 	snop  }
0x3c: {  	p2 =	seq.s32 s10, $0x1;
	s10 =	sld [smem:$0x3FBA]  }
0x3d: {  	_ =	shalt  }
0x3e: {  	_ =	shalt  }
0x3f: {  	_ =	shalt  }
0x40: {  	_ =	shalt  }
0x41: {  	_ =	shalt  }
0x42: {  	_ =	shalt  }
0x43: {  	_ =	shalt  }
0x44: {  	_ =	shalt  }
0x45: {  	_ =	shalt  }
0x46: {  	_ =	shalt  }
0x47: {  	_ =	shalt  }
0x48: {  	_ =	shalt  }
0x49: {  	_ =	shalt  }
0x4a: {  	_ =	shalt  }
0x4b: {  	_ =	shalt  }
0x4c: {  	_ =	shalt  }
0x4d: {  	_ =	shalt  }
0x4e: {  	_ =	shalt  }
0x4f: {  	_ =	shalt  }
0x50: {  	_ =	shalt  }
0x51: {  	_ =	shalt  }
0x52: {  	_ =	shalt  }
0x53: {  	_ =	shalt  }
0x54: {  	_ =	shalt  }
0x55: {  	_ =	shalt  }
0x56: {  	_ =	shalt  }
0x57: {  	_ =	shalt  }
0x58: {  	_ =	shalt  }
0x59: {  	_ =	shalt  }
0x5a: {  	_ =	shalt  }
0x5b: {  	_ =	shalt  }
0x5c: {  	_ =	shalt  }
0x5d: {  	_ =	shalt  }
0x5e: {  	_ =	shalt  }
0x5f: {  	_ =	shalt  }
0x60: {  	_ =	shalt  }
0x61: {  	_ =	shalt  }
0x62: {  	_ =	shalt  }
0x63: {  	_ =	shalt  }
0x64: {  	_ =	shalt  }
0x65: {  	_ =	shalt  }
0x66: {  	_ =	shalt  }
0x67: {  	_ =	shalt  }
0x68: {  	_ =	shalt  }
0x69: {  	_ =	shalt  }
0x6a: {  	_ =	shalt  }
0x6b: {  	_ =	shalt  }
0x6c: {  	_ =	shalt  }
0x6d: {  	_ =	shalt  }
0x6e: {  	_ =	shalt  }
0x6f: {  	_ =	shalt  }
0x70: {  	_ =	shalt  }
0x71: {  	_ =	shalt  }
0x72: {  	_ =	shalt  }
0x73: {  	_ =	shalt  }
0x74: {  	_ =	shalt  }
0x75: {  	_ =	shalt  }
0x76: {  	_ =	shalt  }
0x77: {  	_ =	shalt  }
0x78: {  	_ =	shalt  }
0x79: {  	_ =	shalt  }
0x7a: {  	_ =	shalt  }
0x7b: {  	_ =	shalt  }
0x7c: {  	_ =	shalt  }
0x7d: {  	_ =	shalt  }
0x7e: {  	_ =	shalt  }
0x7f: {  	_ =	shalt  }
0x80: {  	_ =	shalt  }
0x81: {  	_ =	shalt  }
0x82: {  	_ =	shalt  }
0x83: {  	_ =	shalt  }
0x84: {  	_ =	shalt  }
0x85: {  	_ =	shalt  }
0x86: {  	_ =	shalt  }
0x87: {  	_ =	shalt  }
.Lfunc_end0:
.L_simem_size_0:
called_computation_lowered:
.L_overlay_start_0:
0x88: {  	s2 =	sld [smem:$0x3FD9]  }
0x89: {  	s3 =	sld [smem:$0x3FFE];
	_ =	sdelay $0x1  }
0x8a: {  	s1 =	srdreg.scid  }
0x8b: {  	s0 =	sand.u32 $0x1, s1  }
0x8c: {  	s15 =	sshll.u32 s0, $0xA;
	s2 =	sadd.s32 s3, s2  }
0x8d: {  	s2 =	sadd.s32 s2, s15  }
0x8e: {  	[smem:$0x3FC6] =	sst s2  }
0x8f: {  	_ = 	snop  }
0x90: {  	s2 =	sld [smem:$0x3FD0];
	_ =	sdelay $0x2  }
0x91: {  	s4 =	simm.s32 $0xA;
	s5 =	simm.s32 $0x10;
	s16 =	sld [smem:$0x3FC8]  }
0x92: {  	[smem:s5], [sflag:s4] =	dma.local [hbm:s2], $0x1  }
0x93: {  	_ =	swait.eq [sflag:s4], $0x1  }
0x94: {  	[sflag:s4] =	ssyncset.done $0x0  }
0x95: {  	s17 =	sld [smem:$0x10];
	[sflag:s4] =	ssyncadd.s32 $0xFFFFFFFF  }
0x96: {  	s18 =	sld [smem:$0x12];
	(tm) =	ssettm $0x1  }
0x97: {  	s19 =	sld [smem:$0x3FFB];
	_ =	sdelay $0x3  }
0x98: {  	_ =	strace s19  }
0x99: {  	s5 =	sld [smem:$0x3FFC];
	_ =	sdelay $0x3  }
0x9a: {  	_ =	strace s5  }
0x9b: {  	s5 =	sld [smem:$0x3FFD];
	_ =	sdelay $0x3  }
0x9c: {  	_ =	strace s5  }
0x9d: {  	_ =	strace $0x8FFFFFFF  }
0x9e: {  	s20 =	sld [smem:$0x3FDB];
	_ =	sdelay $0x1  }
0x9f: {  	s6 =	simm.s32 $_scs_section_size  }
0xa0: {  	s7 =	simm.s32 $_size__tile_overlayer_lowered;
	s8 =	simm.s32 $_tile_overlayer_lowered  }
0xa1: {  	s23 =	simm.s32 $0x1BFF;
	s22 =	sshll.u32 s8, $0x1;
	s5 =	sadd.s32 s6, s20  }
0xa2: {  	s9 =	simm.s32 $0x0;
	s21 =	sshll.u32 s7, $0x1;
	s7 =	sadd.s32 s22, s5  }
0xa3: {  	[timem:s9], [sflag:s23] =	dma.local [hbm:s7], s21  }
0xa4: {  	_ =	swait.ge [sflag:s23], s21  }
0xa5: {  	s6 =	ssub.s32 $0x0, s21;
	[sflag:s23] =	ssyncset.done $0x0  }
0xa6: {  	[sflag:s23] =	ssyncadd.s32 s6;
	_ =	sdelay $0x1  }
0xa7: {  	s24 =	simm.s32 $0x1B8B  }
0xa8: {  	_ =	swait.ge [sflag:s24], $0x1  }
0xa9: {  	[sflag:s24] =	ssyncset.done $0x0  }
0xaa: {  	s25 =	simm.s32 $0x1B8E;
	[sflag:s24] =	ssyncadd.s32 $0xFFFFFFFF  }
0xab: {  	s26 =	simm.s32 $execute0_lowered;
	[smem:$0x3FD2] =	sst s25  }
0xac: {  	s6 =	sshll.u32 s26, $0x1;
	_ =	strace $0x80000046;
	[dreg:$0x1] =	wrdreg $0xFFFFFFFF  }
0xad: {  	s28 =	simm.s32 $_size_execute0_lowered;
	s5 =	sadd.s32 s5, s6;
	[dreg:$0x0] =	wrdreg $0x0  }
0xae: {  	s6 =	sshll.u32 s28, $0x1;
	[dreg:$0x2] =	wrdreg s5  }
0xaf: {  	[dreg:$0x3] =	wrdreg s6  }
0xb0: {  	[dreg:$0x4] =	wrdreg $0xC0  }
0xb1: {  	_ =	task [dreg:s9], $0x5FFFF  }
0xb2: {  	[dreg:$0x1] =	wrdreg $0xFFFFFFFF  }
0xb3: {  	[dreg:$0x0] =	wrdreg $0x60  }
0xb4: {  	[dreg:$0x2] =	wrdreg s16  }
0xb5: {  	[dreg:$0x3] =	wrdreg s18  }
0xb6: {  	[dreg:$0x4] =	wrdreg s17  }
0xb7: {  	[dreg:$0x5] =	wrdreg $0x9  }
0xb8: {  	_ =	task.clear_ibuf [dreg:s9], $0x6FFFF;
	_ =	strace $0x90000046  }
0xb9: {  	s29 =	simm.s32 $0x9;
	_ =	strace $0x80000048  }
0xba: {  	_ =	swait.ge [sflag:s29], $0x1  }
0xbb: {  	[sflag:s29] =	ssyncadd.s32 $0xFFFFFFFF  }
0xbc: {  	_ =	strace $0x90000048  }
0xbd: {  	_ =	sfence  }
0xbe: {  	s30 =	sld [smem:$0x0];
	_ =	sdelay $0x2  }
0xbf: {  	s31 =	sshll.u32 s1, $0xD;
	s1 =	sshrl.u32 s1, $0x2  }
0xc0: {  	s3 =	sand.u32 $0x4000, s31;
	s1 =	sadd.s32 s1, s30  }
0xc1: {  	s0 =	sor.u32 s3, s0;
	s1 =	sshll.u32 s1, $0x11  }
0xc2: {  	s0 =	sor.u32 s1, s0  }
0xc3: {  	s0 =	sadd.s32 $0x8F2B, s0  }
0xc4: {  	[sflag:s0] =	ssyncadd.remote.s32 $0x1  }
0xc5: {  	_ =	sfence.sel $0xFFFF  }
0xc6: {  	[dreg:$0x0] =	wrdreg $0xFFFFFFFF;
	(pc) =	sbr.abs _section_cstart, $3  }
0xc7: {  	[dreg:$0x1] =	wrdreg $0xFFFFFFFF  }
0xc8: {  	_ =	task.clear_ibuf [dreg:s9], $0x2FFFF;
	_ =	strace $0x9FFFFFFF  }
0xc9: {  	(tm) =	ssettm $0x7FFFFFFF  }
tec
execute0_lowered:
.L_overlay_start_1:
0x0: {  	(tag) =	ssettag $0x1  }
0x1: {  	s1 =	rddreg [dreg:$0x0]  }
0x2: {  	s2 =	rddreg [dreg:$0x1]  }
0x3: {  	s3 =	srdreg.scid;
	s0 =	stileid.u32  }
0x4: {  	s4 =	rddreg [dreg:$0x2];
	s19 =	simm.s32 $0x900;
	s20 =	simm.s32 $0x1100  }
0x5: {  	s22 =	simm.s32 $0x1900;
	s23 =	simm.s32 $0x2100;
	s24 =	simm.s32 $0x2900  }
0x6: {  	s25 =	simm.s32 $0x3100;
	s26 =	simm.s32 $0x3900;
	s8 =	simm.s32 $0x4900  }
0x7: {  	s9 =	simm.s32 $0x5100;
	s10 =	simm.s32 $0x5900;
	s11 =	simm.s32 $0x6100  }
0x8: {  	s12 =	simm.s32 $0x6900;
	s5 =	sand.u32 $0x1, s3;
	s3 =	simm.s32 $0x0  }
0x9: {  	s13 =	simm.s32 $0x7100;
	s14 =	simm.s32 $0x7900;
	[smem:$0x7FF] =	sst s3  }
0xa: {  	s15 =	simm.s32 $0x8100;
	_ =	strace $0x80000047;
	[dreg:$0x6] =	wrdreg s19  }
0xb: {  	s16 =	simm.s32 $0x8900;
	s17 =	simm.s32 $0x9100;
	[dreg:$0x7] =	wrdreg s20  }
0xc: {  	s28 =	simm.s32 $0xE100;
	s29 =	simm.s32 $0xE900;
	[dreg:$0x8] =	wrdreg s22  }
0xd: {  	s30 =	simm.s32 $0xF100;
	s6 =	sshll.u32 s0, $0x1;
	[dreg:$0x9] =	wrdreg s23  }
0xe: {  	s31 =	simm.s32 $0xF900;
	s6 =	sor.u32 s5, s6;
	[dreg:$0xa] =	wrdreg s24  }
0xf: {  	s21 =	ssub.s32 $0x2, s5;
	s7 =	sshll.u32 s6, $0x5;
	[dreg:$0xb] =	wrdreg s25  }
0x10: {  	s6 =	sshll.u32 s6, $0xD;
	s5 =	sshrl.u32 s21, $0x1;
	[dreg:$0xc] =	wrdreg s26  }
0x11: {  	s19 =	simm.s32 $0xA100;
	s20 =	simm.s32 $0xA900;
	s22 =	simm.s32 $0xB900  }
0x12: {  	s23 =	simm.s32 $0xC100;
	s24 =	simm.s32 $0xC900;
	s25 =	simm.s32 $0xD100  }
0x13: {  	s26 =	simm.s32 $0xD900;
	s2 =	sadd.s32 s2, s7;
	s18 =	sadd.s32 s4, s6  }
0x14: {  	v2 =	vlaneseq.u32;
	s4 =	ssub.s32 s21, s5;
	s5 =	simm.s32 $0x2;
	[dreg:$0x4] =	wrdreg s2  }
0x15: {  	vm0 =	vmmov $0xffff;
	v1 =	vshrl.u32 v2, $0x3;
	s6 =	simm.s32 $0x100;
	s21 =	simm.s32 $0xB100;
	[dreg:$0x5] =	wrdreg s18  }
0x16: {  	v0 =	vand.u32 $0x7, v2;
	v2 =	vor.u32 $0x8, v2;
	v1 =	vmul.u32 $0x8, v1;
	s4 =	smax.u32 s4, $0x1;
	s18 =	simm.s32 $0x9900;
	s2 =	simm.s32 $0x1  }
.LBB2_1:
0x17: {  	s0 =	rddreg [dreg:$0x4]  }
0x18: {  	[tilespmem:s3], [sflag:$0x2] =	stream.linear.gather [hbm4b:s0+s3], $0x100, $0x38;
	[tilespmem:$0x10100] =	vst v63  }
0x19: {  	_ =	swait.ge [sflag:s5], $0x100  }
0x1a: {  	[sflag:s5] =	ssyncset.done $0x0  }
0x1b: {  	[sflag:s5] =	ssyncadd.s32 $0xFFFFFF00  }
0x1c: {  	v3 =	vld [tilespmem:$0x0];
	_ =	sdelay $0x4  }
0x1d: {  	v4 =	vshll.u32 v3, $0x1  }
0x1e: {  	v3 =	vand.u32 $0x7, v3;
	v4 =	vand.u32 $0xFFFFFFF0, v4  }
0x1f: {  	v3 =	vor.u32 v3, v4  }
0x20: {  	v4 =	vperm.xlane v3, v0;
	_ =	sdelay $0x1  }
0x21: {  	v3 =	vperm.xlane v3, v2;
	v4 =	vadd.s32 v1, v4;
	_ =	sdelay $0x1  }
0x22: {  	v3 =	vadd.s32 v1, v3;
	_ =	sdelay $0x2  }
0x23: {  	[tilespmem:s6], [sflag:$0x1] =	stream.indirect_vreg.gather [hbm4b:s1+s3], $0x80, v4, vm0, $0xb8;
	[tilespmem:$0x10100] =	vst v63  }
0x24: {  	s7 =	rddreg [dreg:$0x6]  }
0x25: {  	[tilespmem:s7], [sflag:$0x1] =	stream.indirect_vreg.gather [hbm4b:s1+s3], $0x80, v3, vm0, $0xb8;
	[tilespmem:$0x10100] =	vst v63  }
0x26: {  	v3 =	vld [tilespmem:$0x10];
	_ =	sdelay $0x4  }
0x27: {  	v49 =	vshll.u32 v3, $0x1  }
0x28: {  	v3 =	vand.u32 $0x7, v3;
	v4 =	vand.u32 $0xFFFFFFF0, v49  }
0x29: {  	v3 =	vor.u32 v3, v4  }
0x2a: {  	v4 =	vperm.xlane v3, v0;
	_ =	sdelay $0x1  }
0x2b: {  	v3 =	vperm.xlane v3, v2;
	v4 =	vadd.s32 v1, v4;
	_ =	sdelay $0x1  }
0x2c: {  	v3 =	vadd.s32 v1, v3;
	_ =	sdelay $0x1  }
0x2d: {  	s0 =	rddreg [dreg:$0x7]  }
0x2e: {  	[tilespmem:s0], [sflag:$0x1] =	stream.indirect_vreg.gather [hbm4b:s1+s3], $0x80, v4, vm0, $0xb8;
	[tilespmem:$0x10100] =	vst v63  }
0x2f: {  	s7 =	rddreg [dreg:$0x8]  }
0x30: {  	[tilespmem:s7], [sflag:$0x1] =	stream.indirect_vreg.gather [hbm4b:s1+s3], $0x80, v3, vm0, $0xb8;
	[tilespmem:$0x10100] =	vst v63  }
0x31: {  	v3 =	vld [tilespmem:$0x20];
	_ =	sdelay $0x4  }
0x32: {  	v50 =	vshll.u32 v3, $0x1  }
0x33: {  	v3 =	vand.u32 $0x7, v3;
	v4 =	vand.u32 $0xFFFFFFF0, v50  }
0x34: {  	v3 =	vor.u32 v3, v4  }
0x35: {  	v4 =	vperm.xlane v3, v0;
	_ =	sdelay $0x1  }
0x36: {  	v3 =	vperm.xlane v3, v2;
	v4 =	vadd.s32 v1, v4;
	_ =	sdelay $0x1  }
0x37: {  	v3 =	vadd.s32 v1, v3;
	_ =	sdelay $0x1  }
0x38: {  	s0 =	rddreg [dreg:$0x9]  }
0x39: {  	[tilespmem:s0], [sflag:$0x1] =	stream.indirect_vreg.gather [hbm4b:s1+s3], $0x80, v4, vm0, $0xb8;
	[tilespmem:$0x10100] =	vst v63  }
0x3a: {  	s7 =	rddreg [dreg:$0xa]  }
0x3b: {  	[tilespmem:s7], [sflag:$0x1] =	stream.indirect_vreg.gather [hbm4b:s1+s3], $0x80, v3, vm0, $0xb8;
	[tilespmem:$0x10100] =	vst v63  }
0x3c: {  	v3 =	vld [tilespmem:$0x30];
	_ =	sdelay $0x4  }
0x3d: {  	v51 =	vshll.u32 v3, $0x1  }
0x3e: {  	v3 =	vand.u32 $0x7, v3;
	v4 =	vand.u32 $0xFFFFFFF0, v51  }
0x3f: {  	v3 =	vor.u32 v3, v4  }
0x40: {  	v4 =	vperm.xlane v3, v0;
	_ =	sdelay $0x1  }
0x41: {  	v3 =	vperm.xlane v3, v2;
	v4 =	vadd.s32 v1, v4;
	_ =	sdelay $0x1  }
0x42: {  	v3 =	vadd.s32 v1, v3;
	_ =	sdelay $0x1  }
0x43: {  	s0 =	rddreg [dreg:$0xb]  }
0x44: {  	[tilespmem:s0], [sflag:$0x1] =	stream.indirect_vreg.gather [hbm4b:s1+s3], $0x80, v4, vm0, $0xb8;
	[tilespmem:$0x10100] =	vst v63  }
0x45: {  	s7 =	rddreg [dreg:$0xc]  }
0x46: {  	[tilespmem:s7], [sflag:$0x1] =	stream.indirect_vreg.gather [hbm4b:s1+s3], $0x80, v3, vm0, $0xb8;
	[tilespmem:$0x10100] =	vst v63  }
0x47: {  	v3 =	vld [tilespmem:$0x40];
	_ =	sdelay $0x4  }
0x48: {  	v52 =	vshll.u32 v3, $0x1  }
0x49: {  	v3 =	vand.u32 $0x7, v3;
	v4 =	vand.u32 $0xFFFFFFF0, v52  }
0x4a: {  	v3 =	vor.u32 v3, v4  }
0x4b: {  	v4 =	vperm.xlane v3, v0;
	_ =	sdelay $0x1  }
0x4c: {  	v3 =	vperm.xlane v3, v2;
	v4 =	vadd.s32 v1, v4;
	_ =	sdelay $0x1  }
0x4d: {  	v3 =	vadd.s32 v1, v3;
	_ =	sdelay $0x1  }
0x4e: {  	s7 =	simm.s32 $0x4100  }
0x4f: {  	[tilespmem:s7], [sflag:$0x1] =	stream.indirect_vreg.gather [hbm4b:s1+s3], $0x80, v4, vm0, $0xb8;
	[tilespmem:$0x10100] =	vst v63  }
0x50: {  	_ = 	snop  }
0x51: {  	[tilespmem:s8], [sflag:$0x1] =	stream.indirect_vreg.gather [hbm4b:s1+s3], $0x80, v3, vm0, $0xb8;
	[tilespmem:$0x10100] =	vst v63  }
0x52: {  	v3 =	vld [tilespmem:$0x50];
	_ =	sdelay $0x4  }
0x53: {  	v53 =	vshll.u32 v3, $0x1  }
0x54: {  	v3 =	vand.u32 $0x7, v3;
	v4 =	vand.u32 $0xFFFFFFF0, v53  }
0x55: {  	v3 =	vor.u32 v3, v4  }
0x56: {  	v4 =	vperm.xlane v3, v0;
	_ =	sdelay $0x1  }
0x57: {  	v3 =	vperm.xlane v3, v2;
	v4 =	vadd.s32 v1, v4;
	_ =	sdelay $0x1  }
0x58: {  	v3 =	vadd.s32 v1, v3;
	_ =	sdelay $0x2  }
0x59: {  	[tilespmem:s9], [sflag:$0x1] =	stream.indirect_vreg.gather [hbm4b:s1+s3], $0x80, v4, vm0, $0xb8;
	[tilespmem:$0x10100] =	vst v63  }
0x5a: {  	_ = 	snop  }
0x5b: {  	[tilespmem:s10], [sflag:$0x1] =	stream.indirect_vreg.gather [hbm4b:s1+s3], $0x80, v3, vm0, $0xb8;
	[tilespmem:$0x10100] =	vst v63  }
0x5c: {  	v3 =	vld [tilespmem:$0x60];
	_ =	sdelay $0x4  }
0x5d: {  	v54 =	vshll.u32 v3, $0x1  }
0x5e: {  	v3 =	vand.u32 $0x7, v3;
	v4 =	vand.u32 $0xFFFFFFF0, v54  }
0x5f: {  	v3 =	vor.u32 v3, v4  }
0x60: {  	v4 =	vperm.xlane v3, v0;
	_ =	sdelay $0x1  }
0x61: {  	v3 =	vperm.xlane v3, v2;
	v4 =	vadd.s32 v1, v4;
	_ =	sdelay $0x1  }
0x62: {  	v3 =	vadd.s32 v1, v3;
	_ =	sdelay $0x2  }
0x63: {  	[tilespmem:s11], [sflag:$0x1] =	stream.indirect_vreg.gather [hbm4b:s1+s3], $0x80, v4, vm0, $0xb8;
	[tilespmem:$0x10100] =	vst v63  }
0x64: {  	_ = 	snop  }
0x65: {  	[tilespmem:s12], [sflag:$0x1] =	stream.indirect_vreg.gather [hbm4b:s1+s3], $0x80, v3, vm0, $0xb8;
	[tilespmem:$0x10100] =	vst v63  }
0x66: {  	v3 =	vld [tilespmem:$0x70];
	_ =	sdelay $0x4  }
0x67: {  	v55 =	vshll.u32 v3, $0x1  }
0x68: {  	v3 =	vand.u32 $0x7, v3;
	v4 =	vand.u32 $0xFFFFFFF0, v55  }
0x69: {  	v3 =	vor.u32 v3, v4  }
0x6a: {  	v4 =	vperm.xlane v3, v0;
	_ =	sdelay $0x1  }
0x6b: {  	v3 =	vperm.xlane v3, v2;
	v4 =	vadd.s32 v1, v4;
	_ =	sdelay $0x1  }
0x6c: {  	v3 =	vadd.s32 v1, v3;
	_ =	sdelay $0x2  }
0x6d: {  	[tilespmem:s13], [sflag:$0x1] =	stream.indirect_vreg.gather [hbm4b:s1+s3], $0x80, v4, vm0, $0xb8;
	[tilespmem:$0x10100] =	vst v63  }
0x6e: {  	_ = 	snop  }
0x6f: {  	[tilespmem:s14], [sflag:$0x1] =	stream.indirect_vreg.gather [hbm4b:s1+s3], $0x80, v3, vm0, $0xb8;
	[tilespmem:$0x10100] =	vst v63  }
0x70: {  	v3 =	vld [tilespmem:$0x80];
	_ =	sdelay $0x4  }
0x71: {  	v56 =	vshll.u32 v3, $0x1  }
0x72: {  	v3 =	vand.u32 $0x7, v3;
	v4 =	vand.u32 $0xFFFFFFF0, v56  }
0x73: {  	v3 =	vor.u32 v3, v4  }
0x74: {  	v4 =	vperm.xlane v3, v0;
	_ =	sdelay $0x1  }
0x75: {  	v3 =	vperm.xlane v3, v2;
	v4 =	vadd.s32 v1, v4;
	_ =	sdelay $0x1  }
0x76: {  	v3 =	vadd.s32 v1, v3;
	_ =	sdelay $0x2  }
0x77: {  	[tilespmem:s15], [sflag:$0x1] =	stream.indirect_vreg.gather [hbm4b:s1+s3], $0x80, v4, vm0, $0xb8;
	[tilespmem:$0x10100] =	vst v63  }
0x78: {  	_ = 	snop  }
0x79: {  	[tilespmem:s16], [sflag:$0x1] =	stream.indirect_vreg.gather [hbm4b:s1+s3], $0x80, v3, vm0, $0xb8;
	[tilespmem:$0x10100] =	vst v63  }
0x7a: {  	v3 =	vld [tilespmem:$0x90];
	_ =	sdelay $0x4  }
0x7b: {  	v57 =	vshll.u32 v3, $0x1  }
0x7c: {  	v3 =	vand.u32 $0x7, v3;
	v4 =	vand.u32 $0xFFFFFFF0, v57  }
0x7d: {  	v3 =	vor.u32 v3, v4  }
0x7e: {  	v4 =	vperm.xlane v3, v0;
	_ =	sdelay $0x1  }
0x7f: {  	v3 =	vperm.xlane v3, v2;
	v4 =	vadd.s32 v1, v4;
	_ =	sdelay $0x1  }
0x80: {  	v3 =	vadd.s32 v1, v3;
	_ =	sdelay $0x2  }
0x81: {  	[tilespmem:s17], [sflag:$0x1] =	stream.indirect_vreg.gather [hbm4b:s1+s3], $0x80, v4, vm0, $0xb8;
	[tilespmem:$0x10100] =	vst v63  }
0x82: {  	_ = 	snop  }
0x83: {  	[tilespmem:s18], [sflag:$0x1] =	stream.indirect_vreg.gather [hbm4b:s1+s3], $0x80, v3, vm0, $0xb8;
	[tilespmem:$0x10100] =	vst v63  }
0x84: {  	v3 =	vld [tilespmem:$0xA0];
	_ =	sdelay $0x4  }
0x85: {  	v58 =	vshll.u32 v3, $0x1  }
0x86: {  	v3 =	vand.u32 $0x7, v3;
	v4 =	vand.u32 $0xFFFFFFF0, v58  }
0x87: {  	v3 =	vor.u32 v3, v4  }
0x88: {  	v4 =	vperm.xlane v3, v0;
	_ =	sdelay $0x1  }
0x89: {  	v3 =	vperm.xlane v3, v2;
	v4 =	vadd.s32 v1, v4;
	_ =	sdelay $0x1  }
0x8a: {  	v3 =	vadd.s32 v1, v3;
	_ =	sdelay $0x2  }
0x8b: {  	[tilespmem:s19], [sflag:$0x1] =	stream.indirect_vreg.gather [hbm4b:s1+s3], $0x80, v4, vm0, $0xb8;
	[tilespmem:$0x10100] =	vst v63  }
0x8c: {  	_ = 	snop  }
0x8d: {  	[tilespmem:s20], [sflag:$0x1] =	stream.indirect_vreg.gather [hbm4b:s1+s3], $0x80, v3, vm0, $0xb8;
	[tilespmem:$0x10100] =	vst v63  }
0x8e: {  	v3 =	vld [tilespmem:$0xB0];
	_ =	sdelay $0x4  }
0x8f: {  	v59 =	vshll.u32 v3, $0x1  }
0x90: {  	v3 =	vand.u32 $0x7, v3;
	v4 =	vand.u32 $0xFFFFFFF0, v59  }
0x91: {  	v3 =	vor.u32 v3, v4  }
0x92: {  	v4 =	vperm.xlane v3, v0;
	_ =	sdelay $0x1  }
0x93: {  	v3 =	vperm.xlane v3, v2;
	v4 =	vadd.s32 v1, v4;
	_ =	sdelay $0x1  }
0x94: {  	v3 =	vadd.s32 v1, v3;
	_ =	sdelay $0x2  }
0x95: {  	[tilespmem:s21], [sflag:$0x1] =	stream.indirect_vreg.gather [hbm4b:s1+s3], $0x80, v4, vm0, $0xb8;
	[tilespmem:$0x10100] =	vst v63  }
0x96: {  	_ = 	snop  }
0x97: {  	[tilespmem:s22], [sflag:$0x1] =	stream.indirect_vreg.gather [hbm4b:s1+s3], $0x80, v3, vm0, $0xb8;
	[tilespmem:$0x10100] =	vst v63  }
0x98: {  	v3 =	vld [tilespmem:$0xC0];
	_ =	sdelay $0x4  }
0x99: {  	v60 =	vshll.u32 v3, $0x1  }
0x9a: {  	v3 =	vand.u32 $0x7, v3;
	v4 =	vand.u32 $0xFFFFFFF0, v60  }
0x9b: {  	v3 =	vor.u32 v3, v4  }
0x9c: {  	v4 =	vperm.xlane v3, v0;
	_ =	sdelay $0x1  }
0x9d: {  	v3 =	vperm.xlane v3, v2;
	v4 =	vadd.s32 v1, v4;
	_ =	sdelay $0x1  }
0x9e: {  	v3 =	vadd.s32 v1, v3;
	_ =	sdelay $0x2  }
0x9f: {  	[tilespmem:s23], [sflag:$0x1] =	stream.indirect_vreg.gather [hbm4b:s1+s3], $0x80, v4, vm0, $0xb8;
	[tilespmem:$0x10100] =	vst v63  }
0xa0: {  	_ = 	snop  }
0xa1: {  	[tilespmem:s24], [sflag:$0x1] =	stream.indirect_vreg.gather [hbm4b:s1+s3], $0x80, v3, vm0, $0xb8;
	[tilespmem:$0x10100] =	vst v63  }
0xa2: {  	v3 =	vld [tilespmem:$0xD0];
	_ =	sdelay $0x4  }
0xa3: {  	v61 =	vshll.u32 v3, $0x1  }
0xa4: {  	v3 =	vand.u32 $0x7, v3;
	v4 =	vand.u32 $0xFFFFFFF0, v61  }
0xa5: {  	v3 =	vor.u32 v3, v4  }
0xa6: {  	v4 =	vperm.xlane v3, v0;
	_ =	sdelay $0x1  }
0xa7: {  	v3 =	vperm.xlane v3, v2;
	v4 =	vadd.s32 v1, v4;
	_ =	sdelay $0x1  }
0xa8: {  	v3 =	vadd.s32 v1, v3;
	_ =	sdelay $0x2  }
0xa9: {  	[tilespmem:s25], [sflag:$0x1] =	stream.indirect_vreg.gather [hbm4b:s1+s3], $0x80, v4, vm0, $0xb8;
	[tilespmem:$0x10100] =	vst v63  }
0xaa: {  	_ = 	snop  }
0xab: {  	[tilespmem:s26], [sflag:$0x1] =	stream.indirect_vreg.gather [hbm4b:s1+s3], $0x80, v3, vm0, $0xb8;
	[tilespmem:$0x10100] =	vst v63  }
0xac: {  	v3 =	vld [tilespmem:$0xE0];
	_ =	sdelay $0x4  }
0xad: {  	v62 =	vshll.u32 v3, $0x1  }
0xae: {  	v3 =	vand.u32 $0x7, v3;
	v4 =	vand.u32 $0xFFFFFFF0, v62  }
0xaf: {  	v3 =	vor.u32 v3, v4  }
0xb0: {  	v4 =	vperm.xlane v3, v0;
	_ =	sdelay $0x1  }
0xb1: {  	v3 =	vperm.xlane v3, v2;
	v4 =	vadd.s32 v1, v4;
	_ =	sdelay $0x1  }
0xb2: {  	v3 =	vadd.s32 v1, v3;
	_ =	sdelay $0x2  }
0xb3: {  	[tilespmem:s28], [sflag:$0x1] =	stream.indirect_vreg.gather [hbm4b:s1+s3], $0x80, v4, vm0, $0xb8;
	[tilespmem:$0x10100] =	vst v63  }
0xb4: {  	_ = 	snop  }
0xb5: {  	[tilespmem:s29], [sflag:$0x1] =	stream.indirect_vreg.gather [hbm4b:s1+s3], $0x80, v3, vm0, $0xb8;
	[tilespmem:$0x10100] =	vst v63  }
0xb6: {  	v3 =	vld [tilespmem:$0xF0];
	_ =	sdelay $0x4  }
0xb7: {  	v63 =	vshll.u32 v3, $0x1  }
0xb8: {  	v3 =	vand.u32 $0x7, v3;
	v4 =	vand.u32 $0xFFFFFFF0, v63  }
0xb9: {  	v3 =	vor.u32 v3, v4  }
0xba: {  	v4 =	vperm.xlane v3, v0;
	_ =	sdelay $0x1  }
0xbb: {  	v3 =	vperm.xlane v3, v2;
	v4 =	vadd.s32 v1, v4;
	_ =	sdelay $0x1  }
0xbc: {  	v3 =	vadd.s32 v1, v3;
	_ =	sdelay $0x2  }
0xbd: {  	[tilespmem:s30], [sflag:$0x1] =	stream.indirect_vreg.gather [hbm4b:s1+s3], $0x80, v4, vm0, $0xb8;
	[tilespmem:$0x10100] =	vst v63  }
0xbe: {  	_ = 	snop  }
0xbf: {  	[tilespmem:s31], [sflag:$0x1] =	stream.indirect_vreg.gather [hbm4b:s1+s3], $0x80, v3, vm0, $0xb8;
	[tilespmem:$0x10100] =	vst v63  }
0xc0: {  	_ =	swait.ge [sflag:s2], $0x8000  }
0xc1: {  	[sflag:s2] =	ssyncset.done $0x0  }
0xc2: {  	[sflag:s2] =	ssyncadd.s32 $0xFFFF8000  }
0xc3: {  	_ =	swait.ge [sflag:s2], $0x8000  }
0xc4: {  	p0 =	sne.s32 s4, $0x1;
	[sflag:s2] =	ssyncset.done $0x0  }
.Ltmp0:
0xc5: {  	s7 =	rddreg [dreg:$0x5];
	[sflag:s2] =	ssyncadd.s32 $0xFFFF8000;
	(pc) =	sbr.rel @p0 .LBB2_1-.Ltmp0, $4  }
0xc6: {  	[hbm4b:s7+s3] =	stream.linear.scatter [tilespmem:s6], [sflag:$0x2], $0x10000, $0x38;
	[tilespmem:$0x10100] =	vst v63  }
0xc7: {  	_ =	swait.ge [sflag:s5], $0x10000  }
0xc8: {  	[sflag:s5] =	ssyncset.done $0x0  }
0xc9: {  	s4 =	sadd.s32 $0xFFFFFFFF, s4;
	[sflag:s5] =	ssyncadd.s32 $0xFFFF0000  }
0xca: {  	_ =	sfence.sel $0x180000  }
0xcb: {  	[bflag:$0x0] =	sbarrier.arrive $0xFFFF  }
0xcc: {  	_ =	strace $0x90000047  }
0xcd: {  	s0 =	stileid.u32;
	[bflag:$0x2] =	sbarrier.arrive $0xFFFF  }
0xce: {  	p0 =	sne.s32 s0, $0x0;
	s0 =	rddreg [dreg:$0x3]  }
0xcf: {  	s0 =	sadd.s32 @!p0 $0x100000, s0  }
0xd0: {  	[sflag:s0] =	ssyncadd.tile.s32 @!p0 $0x1;
	_ =	shalt  }
.Lfunc_end2:
_tile_overlayer_lowered:
.L_overlay_start_2:
0xd1: {  	(tag) =	ssettag $0x2  }
0xd2: {  	s0 =	rddreg [dreg:$0x0];
	s2 =	stileid.u32  }
0xd3: {  	s1 =	rddreg [dreg:$0x1];
	p0 =	sne.s32 s2, $0x0  }
0xd4: {  	s3 =	rddreg [dreg:$0x2];
	[bflag:$0x3] =	sbarrier.arrive $0xFFFF;
	s2 =	simm.s32 @!p0 $0x1C02  }
0xd5: {  	[timem:s3], [sflag:s2] =	dma.local @!p0 [hbm:s0], s1  }
0xd6: {  	s0 =	simm.s32 @!p0 $0x2  }
0xd7: {  	_ =	swait.ge @!p0 [sflag:s0], s1  }
0xd8: {  	s1 =	ssub.s32 @!p0 $0x0, s1;
	[sflag:s0] =	ssyncset.done @!p0 $0x0  }
0xd9: {  	[sflag:s0] =	ssyncadd.s32 @!p0 s1  }
0xda: {  	[bflag:$0x3] =	sbarrier.arrive $0xFFFF  }
0xdb: {  	_ =	shalt  }

</sc_bundles>
